<compile_context>
chip_gen: v7x
topology: tpu7x:2x2x1
jax: 0.10.2.dev20260603
libtpu: 0.0.44.dev20260713+nightly
codegen_flags: <defaults>
</compile_context>

<pallas_src>
import functools

import jax
import jax.numpy as jnp
from jax import lax
from jax.experimental import pallas as pl
from jax.experimental.pallas import tpu as pltpu
from jax.experimental.pallas import tpu_sc as plsc

L = 16
ROWS = 32
T = 8
V = 100000
NBLK = V // L
U = 10
STEPS = NBLK // U
NCH = 5
NS = 16
IMAX = 2**31 - 1


def _argmax_kernel(x_hbm, out_hbm, buf_v, res_v, sem):
    cid = lax.axis_index("c")
    sid = lax.axis_index("s")
    wid = cid * NS + sid
    pltpu.async_copy(x_hbm.at[wid, T - 1], buf_v, sem).wait()

    mxs = [jnp.full((L,), -jnp.inf, jnp.float32) for _ in range(NCH)]
    ixs = [jnp.zeros((L,), jnp.int32) for _ in range(NCH)]

    def body(t, carry):
        mxs, ixs = list(carry[0]), list(carry[1])
        base = t * U
        for u in range(U):
            v = buf_v[pl.ds((base + u) * L, L)]
            blk = jnp.full((L,), base + u, jnp.int32)
            j = u % NCH
            pred = v > mxs[j]
            mxs[j] = jnp.maximum(mxs[j], v)
            ixs[j] = jnp.where(pred, blk, ixs[j])
        return tuple(mxs), tuple(ixs)

    mt, it_ = lax.fori_loop(0, STEPS, body, (tuple(mxs), tuple(ixs)))
    mxs, ixs = list(mt), list(it_)

    mx, ix = mxs[0], ixs[0]
    for j in range(1, NCH):
        pred = (mxs[j] > mx) | ((mxs[j] == mx) & (ixs[j] < ix))
        mx = jnp.where(pred, mxs[j], mx)
        ix = jnp.where(pred, ixs[j], ix)

    iota = lax.iota(jnp.int32, L)

    def shuffle(v, s):
        return v.at[iota ^ s].get(mode="promise_in_bounds")

    gi = ix * L + iota
    m = mx
    for s in (8, 4, 2, 1):
        m = jnp.maximum(m, shuffle(m, s))
    cand = jnp.where(mx == m, gi, IMAX)
    for s in (8, 4, 2, 1):
        cand = jnp.minimum(cand, shuffle(cand, s))
    res_v[...] = cand
    pltpu.sync_copy(res_v, out_hbm.at[wid])


def kernel(measure):
    mesh = plsc.VectorSubcoreMesh(core_axis_name="c", subcore_axis_name="s")
    run = functools.partial(
        pl.kernel,
        mesh=mesh,
        out_type=jax.ShapeDtypeStruct((ROWS, L), jnp.int32),
        scratch_types=[
            pltpu.VMEM((V,), jnp.float32),
            pltpu.VMEM((L,), jnp.int32),
            pltpu.SemaphoreType.DMA,
        ],
    )(_argmax_kernel)
    out = run(measure)
    return out[:, 0]

# --- scband reference (transcript-rebuilt; emitter-appended) ---
"""Pipeline reference for scband-greedy-strategy-20495583936829 (READ-ONLY COPY).

The authoritative reference and input builder live on the scoring server;
editing this copy changes nothing except your own understanding.
"""

import jax, jax.numpy as jnp
import numpy as np

def setup_inputs(seed: int = 0) -> dict:
    key = jax.random.key(seed)
    measure = jax.random.normal(key, (32, 8, 100000), dtype=jnp.float32)
    return {"measure": measure}

def reference(measure):
    # Faithful translation of greedyStrategy.forward
    if measure.ndim == 3:
        measure = measure[:, -1, :]
    symbols = jnp.argmax(measure, axis=-1)
    return symbols

if __name__ == "__main__":
    import jax
    _d = setup_inputs()
    print(jax.jit(kernel)(*tuple(_d.values())))

</pallas_src>

<mosaic_0001>
#map = affine_map<(d0, d1) -> (0, 0, 0)>
#map1 = affine_map<(d0, d1) -> (0, 0)>
module attributes {stable_mosaic.version = 14 : i64} {
  func.func @_argmax_kernel(%arg0: i32, %arg1: i32, %arg2: memref<32x8x100000xf32, #tpu.memory_space<hbm>>, %arg3: memref<32x16xi32, #tpu.memory_space<hbm>>, %arg4: memref<100000xf32, #tpu.memory_space<vmem>>, %arg5: memref<16xi32, #tpu.memory_space<vmem>>, %arg6: memref<!tpu.dma_semaphore, #tpu.memory_space<semaphore_mem>>) attributes {dimension_semantics = [#tpu.dimension_semantics<core_parallel>, #tpu.dimension_semantics<subcore_parallel>], iteration_bounds = array<i64: 2, 16>, scalar_prefetch = 0 : i64, scratch_operands = 3 : i64, tpu.core_type = #tpu.core_type<sc_vector_subcore>, window_params = [{transform_indices = #map}, {transform_indices = #map1}]} {
    %mul3A = arith.constant 16 : i32
    %mul3A_0 = arith.muli %arg0, %mul3A : i32
    %add3A = arith.addi %mul3A_0, %arg1 : i32
    %dma_start3A = arith.constant 7 : i32
    %dma_start3A_1 = arith.constant 0 : i32
    %dma_start3A_2 = tpu.memref_slice %arg2[%add3A, %dma_start3A, %dma_start3A_1] : memref<32x8x100000xf32, #tpu.memory_space<hbm>> -> memref<1x1x100000xf32, #tpu.memory_space<hbm>>
    %dma_start3A_3 = tpu.memref_squeeze %dma_start3A_2 : memref<1x1x100000xf32, #tpu.memory_space<hbm>> -> memref<100000xf32, #tpu.memory_space<hbm>>
    %dma_start3A_4 = arith.constant 0 : i32
    %dma_start3A_5 = tpu.memref_slice %arg2[%add3A, %dma_start3A, %dma_start3A_4] : memref<32x8x100000xf32, #tpu.memory_space<hbm>> -> memref<1x1x100000xf32, #tpu.memory_space<hbm>>
    %dma_start3A_6 = tpu.memref_squeeze %dma_start3A_5 : memref<1x1x100000xf32, #tpu.memory_space<hbm>> -> memref<100000xf32, #tpu.memory_space<hbm>>
    tpu.enqueue_dma source(%dma_start3A_6 : memref<100000xf32, #tpu.memory_space<hbm>>) target(%arg4 : memref<100000xf32, #tpu.memory_space<vmem>>) target_semaphore(%arg6 : memref<!tpu.dma_semaphore, #tpu.memory_space<semaphore_mem>>)
    %dma_wait3A = arith.constant 7 : i32
    %dma_wait3A_7 = arith.constant 0 : i32
    %dma_wait3A_8 = tpu.memref_slice %arg2[%add3A, %dma_wait3A, %dma_wait3A_7] : memref<32x8x100000xf32, #tpu.memory_space<hbm>> -> memref<1x1x100000xf32, #tpu.memory_space<hbm>>
    %dma_wait3A_9 = tpu.memref_squeeze %dma_wait3A_8 : memref<1x1x100000xf32, #tpu.memory_space<hbm>> -> memref<100000xf32, #tpu.memory_space<hbm>>
    %dma_wait3A_10 = arith.constant 0 : i32
    %dma_wait3A_11 = tpu.memref_slice %arg2[%add3A, %dma_wait3A, %dma_wait3A_10] : memref<32x8x100000xf32, #tpu.memory_space<hbm>> -> memref<1x1x100000xf32, #tpu.memory_space<hbm>>
    %dma_wait3A_12 = tpu.memref_squeeze %dma_wait3A_11 : memref<1x1x100000xf32, #tpu.memory_space<hbm>> -> memref<100000xf32, #tpu.memory_space<hbm>>
    tpu.wait_dma2 semaphore(%arg6 : memref<!tpu.dma_semaphore, #tpu.memory_space<semaphore_mem>>) src(%dma_wait3A_12 : memref<100000xf32, #tpu.memory_space<hbm>>) dst(%arg4 : memref<100000xf32, #tpu.memory_space<vmem>>)
    %broadcast_in_dim3A = arith.constant 0xFF800000 : f32
    %broadcast_in_dim3A_13 = vector.broadcast %broadcast_in_dim3A : f32 to vector<16xf32>
    %broadcast_in_dim3A_14 = arith.constant 0xFF800000 : f32
    %broadcast_in_dim3A_15 = vector.broadcast %broadcast_in_dim3A_14 : f32 to vector<16xf32>
    %broadcast_in_dim3A_16 = arith.constant 0xFF800000 : f32
    %broadcast_in_dim3A_17 = vector.broadcast %broadcast_in_dim3A_16 : f32 to vector<16xf32>
    %broadcast_in_dim3A_18 = arith.constant 0xFF800000 : f32
    %broadcast_in_dim3A_19 = vector.broadcast %broadcast_in_dim3A_18 : f32 to vector<16xf32>
    %broadcast_in_dim3A_20 = arith.constant 0xFF800000 : f32
    %broadcast_in_dim3A_21 = vector.broadcast %broadcast_in_dim3A_20 : f32 to vector<16xf32>
    %broadcast_in_dim3A_22 = arith.constant 0 : i32
    %broadcast_in_dim3A_23 = vector.broadcast %broadcast_in_dim3A_22 : i32 to vector<16xi32>
    %broadcast_in_dim3A_24 = arith.constant 0 : i32
    %broadcast_in_dim3A_25 = vector.broadcast %broadcast_in_dim3A_24 : i32 to vector<16xi32>
    %broadcast_in_dim3A_26 = arith.constant 0 : i32
    %broadcast_in_dim3A_27 = vector.broadcast %broadcast_in_dim3A_26 : i32 to vector<16xi32>
    %broadcast_in_dim3A_28 = arith.constant 0 : i32
    %broadcast_in_dim3A_29 = vector.broadcast %broadcast_in_dim3A_28 : i32 to vector<16xi32>
    %broadcast_in_dim3A_30 = arith.constant 0 : i32
    %broadcast_in_dim3A_31 = vector.broadcast %broadcast_in_dim3A_30 : i32 to vector<16xi32>
    %scan3A = arith.constant 0 : i32
    %scan3A_32 = arith.constant 625 : i32
    %scan3A_33 = arith.addi %scan3A, %scan3A_32 : i32
    %scan3A_34 = arith.constant 1 : i32
    %scan3A_35:10 = scf.for %scan3A_177 = %scan3A to %scan3A_33 step %scan3A_34 iter_args(%scan3A_178 = %broadcast_in_dim3A_13, %scan3A_179 = %broadcast_in_dim3A_15, %scan3A_180 = %broadcast_in_dim3A_17, %scan3A_181 = %broadcast_in_dim3A_19, %scan3A_182 = %broadcast_in_dim3A_21, %scan3A_183 = %broadcast_in_dim3A_23, %scan3A_184 = %broadcast_in_dim3A_25, %scan3A_185 = %broadcast_in_dim3A_27, %scan3A_186 = %broadcast_in_dim3A_29, %scan3A_187 = %broadcast_in_dim3A_31) -> (vector<16xf32>, vector<16xf32>, vector<16xf32>, vector<16xf32>, vector<16xf32>, vector<16xi32>, vector<16xi32>, vector<16xi32>, vector<16xi32>, vector<16xi32>)  : i32 {
      %mul3A_188 = arith.constant 10 : i32
      %mul3A_189 = arith.muli %scan3A_177, %mul3A_188 : i32
      %add3A_190 = arith.constant 0 : i32
      %add3A_191 = arith.addi %mul3A_189, %add3A_190 : i32
      %mul3A_192 = arith.constant 16 : i32
      %mul3A_193 = arith.muli %add3A_191, %mul3A_192 : i32
      %get3A = arith.index_cast %mul3A_193 : i32 to index
      %get3A_194 = tpu.vector_load %arg4[%get3A] {strides = array<i32>} : memref<100000xf32, #tpu.memory_space<vmem>>, vector<16xf32>,
      %get3A_195 = vector.shape_cast %get3A_194 : vector<16xf32> to vector<16xf32>
      %add3A_196 = arith.constant 0 : i32
      %add3A_197 = arith.addi %mul3A_189, %add3A_196 : i32
      %broadcast_in_dim3A_198 = vector.broadcast %add3A_197 : i32 to vector<16xi32>
      %gt3A_199 = arith.cmpf ogt, %get3A_195, %scan3A_178 : vector<16xf32>
      %max3A_200 = arith.maximumf %scan3A_178, %get3A_195 : vector<16xf32>
      %select_n3A_201 = arith.select %gt3A_199, %broadcast_in_dim3A_198, %scan3A_183 : vector<16xi1>, vector<16xi32>
      %add3A_202 = arith.constant 1 : i32
      %add3A_203 = arith.addi %mul3A_189, %add3A_202 : i32
      %mul3A_204 = arith.constant 16 : i32
      %mul3A_205 = arith.muli %add3A_203, %mul3A_204 : i32
      %get3A_206 = arith.index_cast %mul3A_205 : i32 to index
      %get3A_207 = tpu.vector_load %arg4[%get3A_206] {strides = array<i32>} : memref<100000xf32, #tpu.memory_space<vmem>>, vector<16xf32>,
      %get3A_208 = vector.shape_cast %get3A_207 : vector<16xf32> to vector<16xf32>
      %add3A_209 = arith.constant 1 : i32
      %add3A_210 = arith.addi %mul3A_189, %add3A_209 : i32
      %broadcast_in_dim3A_211 = vector.broadcast %add3A_210 : i32 to vector<16xi32>
      %gt3A_212 = arith.cmpf ogt, %get3A_208, %scan3A_179 : vector<16xf32>
      %max3A_213 = arith.maximumf %scan3A_179, %get3A_208 : vector<16xf32>
      %select_n3A_214 = arith.select %gt3A_212, %broadcast_in_dim3A_211, %scan3A_184 : vector<16xi1>, vector<16xi32>
      %add3A_215 = arith.constant 2 : i32
      %add3A_216 = arith.addi %mul3A_189, %add3A_215 : i32
      %mul3A_217 = arith.constant 16 : i32
      %mul3A_218 = arith.muli %add3A_216, %mul3A_217 : i32
      %get3A_219 = arith.index_cast %mul3A_218 : i32 to index
      %get3A_220 = tpu.vector_load %arg4[%get3A_219] {strides = array<i32>} : memref<100000xf32, #tpu.memory_space<vmem>>, vector<16xf32>,
      %get3A_221 = vector.shape_cast %get3A_220 : vector<16xf32> to vector<16xf32>
      %add3A_222 = arith.constant 2 : i32
      %add3A_223 = arith.addi %mul3A_189, %add3A_222 : i32
      %broadcast_in_dim3A_224 = vector.broadcast %add3A_223 : i32 to vector<16xi32>
      %gt3A_225 = arith.cmpf ogt, %get3A_221, %scan3A_180 : vector<16xf32>
      %max3A_226 = arith.maximumf %scan3A_180, %get3A_221 : vector<16xf32>
      %select_n3A_227 = arith.select %gt3A_225, %broadcast_in_dim3A_224, %scan3A_185 : vector<16xi1>, vector<16xi32>
      %add3A_228 = arith.constant 3 : i32
      %add3A_229 = arith.addi %mul3A_189, %add3A_228 : i32
      %mul3A_230 = arith.constant 16 : i32
      %mul3A_231 = arith.muli %add3A_229, %mul3A_230 : i32
      %get3A_232 = arith.index_cast %mul3A_231 : i32 to index
      %get3A_233 = tpu.vector_load %arg4[%get3A_232] {strides = array<i32>} : memref<100000xf32, #tpu.memory_space<vmem>>, vector<16xf32>,
      %get3A_234 = vector.shape_cast %get3A_233 : vector<16xf32> to vector<16xf32>
      %add3A_235 = arith.constant 3 : i32
      %add3A_236 = arith.addi %mul3A_189, %add3A_235 : i32
      %broadcast_in_dim3A_237 = vector.broadcast %add3A_236 : i32 to vector<16xi32>
      %gt3A_238 = arith.cmpf ogt, %get3A_234, %scan3A_181 : vector<16xf32>
      %max3A_239 = arith.maximumf %scan3A_181, %get3A_234 : vector<16xf32>
      %select_n3A_240 = arith.select %gt3A_238, %broadcast_in_dim3A_237, %scan3A_186 : vector<16xi1>, vector<16xi32>
      %add3A_241 = arith.constant 4 : i32
      %add3A_242 = arith.addi %mul3A_189, %add3A_241 : i32
      %mul3A_243 = arith.constant 16 : i32
      %mul3A_244 = arith.muli %add3A_242, %mul3A_243 : i32
      %get3A_245 = arith.index_cast %mul3A_244 : i32 to index
      %get3A_246 = tpu.vector_load %arg4[%get3A_245] {strides = array<i32>} : memref<100000xf32, #tpu.memory_space<vmem>>, vector<16xf32>,
      %get3A_247 = vector.shape_cast %get3A_246 : vector<16xf32> to vector<16xf32>
      %add3A_248 = arith.constant 4 : i32
      %add3A_249 = arith.addi %mul3A_189, %add3A_248 : i32
      %broadcast_in_dim3A_250 = vector.broadcast %add3A_249 : i32 to vector<16xi32>
      %gt3A_251 = arith.cmpf ogt, %get3A_247, %scan3A_182 : vector<16xf32>
      %max3A_252 = arith.maximumf %scan3A_182, %get3A_247 : vector<16xf32>
      %select_n3A_253 = arith.select %gt3A_251, %broadcast_in_dim3A_250, %scan3A_187 : vector<16xi1>, vector<16xi32>
      %add3A_254 = arith.constant 5 : i32
      %add3A_255 = arith.addi %mul3A_189, %add3A_254 : i32
      %mul3A_256 = arith.constant 16 : i32
      %mul3A_257 = arith.muli %add3A_255, %mul3A_256 : i32
      %get3A_258 = arith.index_cast %mul3A_257 : i32 to index
      %get3A_259 = tpu.vector_load %arg4[%get3A_258] {strides = array<i32>} : memref<100000xf32, #tpu.memory_space<vmem>>, vector<16xf32>,
      %get3A_260 = vector.shape_cast %get3A_259 : vector<16xf32> to vector<16xf32>
      %add3A_261 = arith.constant 5 : i32
      %add3A_262 = arith.addi %mul3A_189, %add3A_261 : i32
      %broadcast_in_dim3A_263 = vector.broadcast %add3A_262 : i32 to vector<16xi32>
      %gt3A_264 = arith.cmpf ogt, %get3A_260, %max3A_200 : vector<16xf32>
      %max3A_265 = arith.maximumf %max3A_200, %get3A_260 : vector<16xf32>
      %select_n3A_266 = arith.select %gt3A_264, %broadcast_in_dim3A_263, %select_n3A_201 : vector<16xi1>, vector<16xi32>
      %add3A_267 = arith.constant 6 : i32
      %add3A_268 = arith.addi %mul3A_189, %add3A_267 : i32
      %mul3A_269 = arith.constant 16 : i32
      %mul3A_270 = arith.muli %add3A_268, %mul3A_269 : i32
      %get3A_271 = arith.index_cast %mul3A_270 : i32 to index
      %get3A_272 = tpu.vector_load %arg4[%get3A_271] {strides = array<i32>} : memref<100000xf32, #tpu.memory_space<vmem>>, vector<16xf32>,
      %get3A_273 = vector.shape_cast %get3A_272 : vector<16xf32> to vector<16xf32>
      %add3A_274 = arith.constant 6 : i32
      %add3A_275 = arith.addi %mul3A_189, %add3A_274 : i32
      %broadcast_in_dim3A_276 = vector.broadcast %add3A_275 : i32 to vector<16xi32>
      %gt3A_277 = arith.cmpf ogt, %get3A_273, %max3A_213 : vector<16xf32>
      %max3A_278 = arith.maximumf %max3A_213, %get3A_273 : vector<16xf32>
      %select_n3A_279 = arith.select %gt3A_277, %broadcast_in_dim3A_276, %select_n3A_214 : vector<16xi1>, vector<16xi32>
      %add3A_280 = arith.constant 7 : i32
      %add3A_281 = arith.addi %mul3A_189, %add3A_280 : i32
      %mul3A_282 = arith.constant 16 : i32
      %mul3A_283 = arith.muli %add3A_281, %mul3A_282 : i32
      %get3A_284 = arith.index_cast %mul3A_283 : i32 to index
      %get3A_285 = tpu.vector_load %arg4[%get3A_284] {strides = array<i32>} : memref<100000xf32, #tpu.memory_space<vmem>>, vector<16xf32>,
      %get3A_286 = vector.shape_cast %get3A_285 : vector<16xf32> to vector<16xf32>
      %add3A_287 = arith.constant 7 : i32
      %add3A_288 = arith.addi %mul3A_189, %add3A_287 : i32
      %broadcast_in_dim3A_289 = vector.broadcast %add3A_288 : i32 to vector<16xi32>
      %gt3A_290 = arith.cmpf ogt, %get3A_286, %max3A_226 : vector<16xf32>
      %max3A_291 = arith.maximumf %max3A_226, %get3A_286 : vector<16xf32>
      %select_n3A_292 = arith.select %gt3A_290, %broadcast_in_dim3A_289, %select_n3A_227 : vector<16xi1>, vector<16xi32>
      %add3A_293 = arith.constant 8 : i32
      %add3A_294 = arith.addi %mul3A_189, %add3A_293 : i32
      %mul3A_295 = arith.constant 16 : i32
      %mul3A_296 = arith.muli %add3A_294, %mul3A_295 : i32
      %get3A_297 = arith.index_cast %mul3A_296 : i32 to index
      %get3A_298 = tpu.vector_load %arg4[%get3A_297] {strides = array<i32>} : memref<100000xf32, #tpu.memory_space<vmem>>, vector<16xf32>,
      %get3A_299 = vector.shape_cast %get3A_298 : vector<16xf32> to vector<16xf32>
      %add3A_300 = arith.constant 8 : i32
      %add3A_301 = arith.addi %mul3A_189, %add3A_300 : i32
      %broadcast_in_dim3A_302 = vector.broadcast %add3A_301 : i32 to vector<16xi32>
      %gt3A_303 = arith.cmpf ogt, %get3A_299, %max3A_239 : vector<16xf32>
      %max3A_304 = arith.maximumf %max3A_239, %get3A_299 : vector<16xf32>
      %select_n3A_305 = arith.select %gt3A_303, %broadcast_in_dim3A_302, %select_n3A_240 : vector<16xi1>, vector<16xi32>
      %add3A_306 = arith.constant 9 : i32
      %add3A_307 = arith.addi %mul3A_189, %add3A_306 : i32
      %mul3A_308 = arith.constant 16 : i32
      %mul3A_309 = arith.muli %add3A_307, %mul3A_308 : i32
      %get3A_310 = arith.index_cast %mul3A_309 : i32 to index
      %get3A_311 = tpu.vector_load %arg4[%get3A_310] {strides = array<i32>} : memref<100000xf32, #tpu.memory_space<vmem>>, vector<16xf32>,
      %get3A_312 = vector.shape_cast %get3A_311 : vector<16xf32> to vector<16xf32>
      %add3A_313 = arith.constant 9 : i32
      %add3A_314 = arith.addi %mul3A_189, %add3A_313 : i32
      %broadcast_in_dim3A_315 = vector.broadcast %add3A_314 : i32 to vector<16xi32>
      %gt3A_316 = arith.cmpf ogt, %get3A_312, %max3A_252 : vector<16xf32>
      %max3A_317 = arith.maximumf %max3A_252, %get3A_312 : vector<16xf32>
      %select_n3A_318 = arith.select %gt3A_316, %broadcast_in_dim3A_315, %select_n3A_253 : vector<16xi1>, vector<16xi32>
      scf.yield %max3A_265, %max3A_278, %max3A_291, %max3A_304, %max3A_317, %select_n3A_266, %select_n3A_279, %select_n3A_292, %select_n3A_305, %select_n3A_318 : vector<16xf32>, vector<16xf32>, vector<16xf32>, vector<16xf32>, vector<16xf32>, vector<16xi32>, vector<16xi32>, vector<16xi32>, vector<16xi32>, vector<16xi32>
    }
    %scan3A_36 = arith.constant 625 : i32
    %gt3A = arith.cmpf ogt, %scan3A_35#1, %scan3A_35#0 : vector<16xf32>
    %eq3A = arith.cmpf oeq, %scan3A_35#1, %scan3A_35#0 : vector<16xf32>
    %lt3A = arith.cmpi slt, %scan3A_35#6, %scan3A_35#5 : vector<16xi32>
    %and3A = arith.andi %eq3A, %lt3A : vector<16xi1>
    %or3A = arith.ori %gt3A, %and3A : vector<16xi1>
    %select_n3A = arith.select %or3A, %scan3A_35#1, %scan3A_35#0 : vector<16xi1>, vector<16xf32>
    %select_n3A_37 = arith.select %or3A, %scan3A_35#6, %scan3A_35#5 : vector<16xi1>, vector<16xi32>
    %gt3A_38 = arith.cmpf ogt, %scan3A_35#2, %select_n3A : vector<16xf32>
    %eq3A_39 = arith.cmpf oeq, %scan3A_35#2, %select_n3A : vector<16xf32>
    %lt3A_40 = arith.cmpi slt, %scan3A_35#7, %select_n3A_37 : vector<16xi32>
    %and3A_41 = arith.andi %eq3A_39, %lt3A_40 : vector<16xi1>
    %or3A_42 = arith.ori %gt3A_38, %and3A_41 : vector<16xi1>
    %select_n3A_43 = arith.select %or3A_42, %scan3A_35#2, %select_n3A : vector<16xi1>, vector<16xf32>
    %select_n3A_44 = arith.select %or3A_42, %scan3A_35#7, %select_n3A_37 : vector<16xi1>, vector<16xi32>
    %gt3A_45 = arith.cmpf ogt, %scan3A_35#3, %select_n3A_43 : vector<16xf32>
    %eq3A_46 = arith.cmpf oeq, %scan3A_35#3, %select_n3A_43 : vector<16xf32>
    %lt3A_47 = arith.cmpi slt, %scan3A_35#8, %select_n3A_44 : vector<16xi32>
    %and3A_48 = arith.andi %eq3A_46, %lt3A_47 : vector<16xi1>
    %or3A_49 = arith.ori %gt3A_45, %and3A_48 : vector<16xi1>
    %select_n3A_50 = arith.select %or3A_49, %scan3A_35#3, %select_n3A_43 : vector<16xi1>, vector<16xf32>
    %select_n3A_51 = arith.select %or3A_49, %scan3A_35#8, %select_n3A_44 : vector<16xi1>, vector<16xi32>
    %gt3A_52 = arith.cmpf ogt, %scan3A_35#4, %select_n3A_50 : vector<16xf32>
    %eq3A_53 = arith.cmpf oeq, %scan3A_35#4, %select_n3A_50 : vector<16xf32>
    %lt3A_54 = arith.cmpi slt, %scan3A_35#9, %select_n3A_51 : vector<16xi32>
    %and3A_55 = arith.andi %eq3A_53, %lt3A_54 : vector<16xi1>
    %or3A_56 = arith.ori %gt3A_52, %and3A_55 : vector<16xi1>
    %select_n3A_57 = arith.select %or3A_56, %scan3A_35#4, %select_n3A_50 : vector<16xi1>, vector<16xf32>
    %select_n3A_58 = arith.select %or3A_56, %scan3A_35#9, %select_n3A_51 : vector<16xi1>, vector<16xi32>
    %iota3A = tpu.iota {dimensions = array<i32: 0>} : vector<16xi32>
    %mul3A_59 = arith.constant 16 : i32
    %mul3A_60 = vector.broadcast %mul3A_59 : i32 to vector<16xi32>
    %mul3A_61 = arith.muli %select_n3A_58, %mul3A_60 : vector<16xi32>
    %add3A_62 = arith.addi %mul3A_61, %iota3A : vector<16xi32>
    %xor3A = arith.constant 8 : i32
    %xor3A_63 = vector.broadcast %xor3A : i32 to vector<16xi32>
    %xor3A_64 = arith.xori %iota3A, %xor3A_63 : vector<16xi32>
    %lt3A_65 = arith.constant 0 : i32
    %lt3A_66 = vector.broadcast %lt3A_65 : i32 to vector<16xi32>
    %lt3A_67 = arith.cmpi slt, %xor3A_64, %lt3A_66 : vector<16xi32>
    %add3A_68 = arith.constant 16 : i32
    %add3A_69 = vector.broadcast %add3A_68 : i32 to vector<16xi32>
    %add3A_70 = arith.addi %xor3A_64, %add3A_69 : vector<16xi32>
    %select_n3A_71 = arith.select %lt3A_67, %add3A_70, %xor3A_64 : vector<16xi1>, vector<16xi32>
    %broadcast_in_dim3A_72 = vector.shape_cast %select_n3A_71 : vector<16xi32> to vector<16x1xi32>
    %gather3A = vector.shape_cast %broadcast_in_dim3A_72 : vector<16x1xi32> to vector<16xi32>
    %gather3A_73 = tpu.dynamic_gather %select_n3A_57[%gather3A] in [0] : vector<16xf32>, vector<16xi32> -> vector<16xf32>
    %max3A = arith.maximumf %select_n3A_57, %gather3A_73 : vector<16xf32>
    %xor3A_74 = arith.constant 4 : i32
    %xor3A_75 = vector.broadcast %xor3A_74 : i32 to vector<16xi32>
    %xor3A_76 = arith.xori %iota3A, %xor3A_75 : vector<16xi32>
    %lt3A_77 = arith.constant 0 : i32
    %lt3A_78 = vector.broadcast %lt3A_77 : i32 to vector<16xi32>
    %lt3A_79 = arith.cmpi slt, %xor3A_76, %lt3A_78 : vector<16xi32>
    %add3A_80 = arith.constant 16 : i32
    %add3A_81 = vector.broadcast %add3A_80 : i32 to vector<16xi32>
    %add3A_82 = arith.addi %xor3A_76, %add3A_81 : vector<16xi32>
    %select_n3A_83 = arith.select %lt3A_79, %add3A_82, %xor3A_76 : vector<16xi1>, vector<16xi32>
    %broadcast_in_dim3A_84 = vector.shape_cast %select_n3A_83 : vector<16xi32> to vector<16x1xi32>
    %gather3A_85 = vector.shape_cast %broadcast_in_dim3A_84 : vector<16x1xi32> to vector<16xi32>
    %gather3A_86 = tpu.dynamic_gather %max3A[%gather3A_85] in [0] : vector<16xf32>, vector<16xi32> -> vector<16xf32>
    %max3A_87 = arith.maximumf %max3A, %gather3A_86 : vector<16xf32>
    %xor3A_88 = arith.constant 2 : i32
    %xor3A_89 = vector.broadcast %xor3A_88 : i32 to vector<16xi32>
    %xor3A_90 = arith.xori %iota3A, %xor3A_89 : vector<16xi32>
    %lt3A_91 = arith.constant 0 : i32
    %lt3A_92 = vector.broadcast %lt3A_91 : i32 to vector<16xi32>
    %lt3A_93 = arith.cmpi slt, %xor3A_90, %lt3A_92 : vector<16xi32>
    %add3A_94 = arith.constant 16 : i32
    %add3A_95 = vector.broadcast %add3A_94 : i32 to vector<16xi32>
    %add3A_96 = arith.addi %xor3A_90, %add3A_95 : vector<16xi32>
    %select_n3A_97 = arith.select %lt3A_93, %add3A_96, %xor3A_90 : vector<16xi1>, vector<16xi32>
    %broadcast_in_dim3A_98 = vector.shape_cast %select_n3A_97 : vector<16xi32> to vector<16x1xi32>
    %gather3A_99 = vector.shape_cast %broadcast_in_dim3A_98 : vector<16x1xi32> to vector<16xi32>
    %gather3A_100 = tpu.dynamic_gather %max3A_87[%gather3A_99] in [0] : vector<16xf32>, vector<16xi32> -> vector<16xf32>
    %max3A_101 = arith.maximumf %max3A_87, %gather3A_100 : vector<16xf32>
    %xor3A_102 = arith.constant 1 : i32
    %xor3A_103 = vector.broadcast %xor3A_102 : i32 to vector<16xi32>
    %xor3A_104 = arith.xori %iota3A, %xor3A_103 : vector<16xi32>
    %lt3A_105 = arith.constant 0 : i32
    %lt3A_106 = vector.broadcast %lt3A_105 : i32 to vector<16xi32>
    %lt3A_107 = arith.cmpi slt, %xor3A_104, %lt3A_106 : vector<16xi32>
    %add3A_108 = arith.constant 16 : i32
    %add3A_109 = vector.broadcast %add3A_108 : i32 to vector<16xi32>
    %add3A_110 = arith.addi %xor3A_104, %add3A_109 : vector<16xi32>
    %select_n3A_111 = arith.select %lt3A_107, %add3A_110, %xor3A_104 : vector<16xi1>, vector<16xi32>
    %broadcast_in_dim3A_112 = vector.shape_cast %select_n3A_111 : vector<16xi32> to vector<16x1xi32>
    %gather3A_113 = vector.shape_cast %broadcast_in_dim3A_112 : vector<16x1xi32> to vector<16xi32>
    %gather3A_114 = tpu.dynamic_gather %max3A_101[%gather3A_113] in [0] : vector<16xf32>, vector<16xi32> -> vector<16xf32>
    %max3A_115 = arith.maximumf %max3A_101, %gather3A_114 : vector<16xf32>
    %eq3A_116 = arith.cmpf oeq, %select_n3A_57, %max3A_115 : vector<16xf32>
    %jit3A = arith.constant 2147483647 : i32
    %broadcast_in_dim3A_117 = vector.broadcast %jit3A : i32 to vector<16xi32>
    %select_n3A_118 = arith.select %eq3A_116, %add3A_62, %broadcast_in_dim3A_117 : vector<16xi1>, vector<16xi32>
    %xor3A_119 = arith.constant 8 : i32
    %xor3A_120 = vector.broadcast %xor3A_119 : i32 to vector<16xi32>
    %xor3A_121 = arith.xori %iota3A, %xor3A_120 : vector<16xi32>
    %lt3A_122 = arith.constant 0 : i32
    %lt3A_123 = vector.broadcast %lt3A_122 : i32 to vector<16xi32>
    %lt3A_124 = arith.cmpi slt, %xor3A_121, %lt3A_123 : vector<16xi32>
    %add3A_125 = arith.constant 16 : i32
    %add3A_126 = vector.broadcast %add3A_125 : i32 to vector<16xi32>
    %add3A_127 = arith.addi %xor3A_121, %add3A_126 : vector<16xi32>
    %select_n3A_128 = arith.select %lt3A_124, %add3A_127, %xor3A_121 : vector<16xi1>, vector<16xi32>
    %broadcast_in_dim3A_129 = vector.shape_cast %select_n3A_128 : vector<16xi32> to vector<16x1xi32>
    %gather3A_130 = vector.shape_cast %broadcast_in_dim3A_129 : vector<16x1xi32> to vector<16xi32>
    %gather3A_131 = tpu.dynamic_gather %select_n3A_118[%gather3A_130] in [0] : vector<16xi32>, vector<16xi32> -> vector<16xi32>
    %min3A = arith.minsi %select_n3A_118, %gather3A_131 : vector<16xi32>
    %xor3A_132 = arith.constant 4 : i32
    %xor3A_133 = vector.broadcast %xor3A_132 : i32 to vector<16xi32>
    %xor3A_134 = arith.xori %iota3A, %xor3A_133 : vector<16xi32>
    %lt3A_135 = arith.constant 0 : i32
    %lt3A_136 = vector.broadcast %lt3A_135 : i32 to vector<16xi32>
    %lt3A_137 = arith.cmpi slt, %xor3A_134, %lt3A_136 : vector<16xi32>
    %add3A_138 = arith.constant 16 : i32
    %add3A_139 = vector.broadcast %add3A_138 : i32 to vector<16xi32>
    %add3A_140 = arith.addi %xor3A_134, %add3A_139 : vector<16xi32>
    %select_n3A_141 = arith.select %lt3A_137, %add3A_140, %xor3A_134 : vector<16xi1>, vector<16xi32>
    %broadcast_in_dim3A_142 = vector.shape_cast %select_n3A_141 : vector<16xi32> to vector<16x1xi32>
    %gather3A_143 = vector.shape_cast %broadcast_in_dim3A_142 : vector<16x1xi32> to vector<16xi32>
    %gather3A_144 = tpu.dynamic_gather %min3A[%gather3A_143] in [0] : vector<16xi32>, vector<16xi32> -> vector<16xi32>
    %min3A_145 = arith.minsi %min3A, %gather3A_144 : vector<16xi32>
    %xor3A_146 = arith.constant 2 : i32
    %xor3A_147 = vector.broadcast %xor3A_146 : i32 to vector<16xi32>
    %xor3A_148 = arith.xori %iota3A, %xor3A_147 : vector<16xi32>
    %lt3A_149 = arith.constant 0 : i32
    %lt3A_150 = vector.broadcast %lt3A_149 : i32 to vector<16xi32>
    %lt3A_151 = arith.cmpi slt, %xor3A_148, %lt3A_150 : vector<16xi32>
    %add3A_152 = arith.constant 16 : i32
    %add3A_153 = vector.broadcast %add3A_152 : i32 to vector<16xi32>
    %add3A_154 = arith.addi %xor3A_148, %add3A_153 : vector<16xi32>
    %select_n3A_155 = arith.select %lt3A_151, %add3A_154, %xor3A_148 : vector<16xi1>, vector<16xi32>
    %broadcast_in_dim3A_156 = vector.shape_cast %select_n3A_155 : vector<16xi32> to vector<16x1xi32>
    %gather3A_157 = vector.shape_cast %broadcast_in_dim3A_156 : vector<16x1xi32> to vector<16xi32>
    %gather3A_158 = tpu.dynamic_gather %min3A_145[%gather3A_157] in [0] : vector<16xi32>, vector<16xi32> -> vector<16xi32>
    %min3A_159 = arith.minsi %min3A_145, %gather3A_158 : vector<16xi32>
    %xor3A_160 = arith.constant 1 : i32
    %xor3A_161 = vector.broadcast %xor3A_160 : i32 to vector<16xi32>
    %xor3A_162 = arith.xori %iota3A, %xor3A_161 : vector<16xi32>
    %lt3A_163 = arith.constant 0 : i32
    %lt3A_164 = vector.broadcast %lt3A_163 : i32 to vector<16xi32>
    %lt3A_165 = arith.cmpi slt, %xor3A_162, %lt3A_164 : vector<16xi32>
    %add3A_166 = arith.constant 16 : i32
    %add3A_167 = vector.broadcast %add3A_166 : i32 to vector<16xi32>
    %add3A_168 = arith.addi %xor3A_162, %add3A_167 : vector<16xi32>
    %select_n3A_169 = arith.select %lt3A_165, %add3A_168, %xor3A_162 : vector<16xi1>, vector<16xi32>
    %broadcast_in_dim3A_170 = vector.shape_cast %select_n3A_169 : vector<16xi32> to vector<16x1xi32>
    %gather3A_171 = vector.shape_cast %broadcast_in_dim3A_170 : vector<16x1xi32> to vector<16xi32>
    %gather3A_172 = tpu.dynamic_gather %min3A_159[%gather3A_171] in [0] : vector<16xi32>, vector<16xi32> -> vector<16xi32>
    %min3A_173 = arith.minsi %min3A_159, %gather3A_172 : vector<16xi32>
    %swap3A = arith.constant 0 : index
    %swap3A_174 = tpu.vector_load %arg5[%swap3A] {strides = array<i32>} : memref<16xi32, #tpu.memory_space<vmem>>, vector<16xi32>,
    %swap3A_175 = vector.shape_cast %swap3A_174 : vector<16xi32> to vector<16xi32>
    %swap3A_176 = vector.shape_cast %min3A_173 : vector<16xi32> to vector<16xi32>
    tpu.vector_store %arg5[%swap3A], %swap3A_176 {strides = array<i32>} : memref<16xi32, #tpu.memory_space<vmem>>, vector<16xi32>,
    "tpu.region"() ({
      %run_scoped3A = tpu.sem_alloc : memref<!tpu.dma_semaphore, #tpu.memory_space<semaphore_mem>>
      %dma_start3A_177 = arith.constant 0 : i32
      %dma_start3A_178 = tpu.memref_slice %arg3[%add3A, %dma_start3A_177] : memref<32x16xi32, #tpu.memory_space<hbm>> -> memref<1x16xi32, #tpu.memory_space<hbm>>
      %dma_start3A_179 = tpu.memref_squeeze %dma_start3A_178 : memref<1x16xi32, #tpu.memory_space<hbm>> -> memref<16xi32, #tpu.memory_space<hbm>>
      %dma_start3A_180 = arith.constant 0 : i32
      %dma_start3A_181 = tpu.memref_slice %arg3[%add3A, %dma_start3A_180] : memref<32x16xi32, #tpu.memory_space<hbm>> -> memref<1x16xi32, #tpu.memory_space<hbm>>
      %dma_start3A_182 = tpu.memref_squeeze %dma_start3A_181 : memref<1x16xi32, #tpu.memory_space<hbm>> -> memref<16xi32, #tpu.memory_space<hbm>>
      tpu.enqueue_dma source(%arg5 : memref<16xi32, #tpu.memory_space<vmem>>) target(%dma_start3A_182 : memref<16xi32, #tpu.memory_space<hbm>>) target_semaphore(%run_scoped3A : memref<!tpu.dma_semaphore, #tpu.memory_space<semaphore_mem>>)
      %dma_wait3A_183 = arith.constant 0 : i32
      %dma_wait3A_184 = tpu.memref_slice %arg3[%add3A, %dma_wait3A_183] : memref<32x16xi32, #tpu.memory_space<hbm>> -> memref<1x16xi32, #tpu.memory_space<hbm>>
      %dma_wait3A_185 = tpu.memref_squeeze %dma_wait3A_184 : memref<1x16xi32, #tpu.memory_space<hbm>> -> memref<16xi32, #tpu.memory_space<hbm>>
      %dma_wait3A_186 = arith.constant 0 : i32
      %dma_wait3A_187 = tpu.memref_slice %arg3[%add3A, %dma_wait3A_186] : memref<32x16xi32, #tpu.memory_space<hbm>> -> memref<1x16xi32, #tpu.memory_space<hbm>>
      %dma_wait3A_188 = tpu.memref_squeeze %dma_wait3A_187 : memref<1x16xi32, #tpu.memory_space<hbm>> -> memref<16xi32, #tpu.memory_space<hbm>>
      tpu.wait_dma2 semaphore(%run_scoped3A : memref<!tpu.dma_semaphore, #tpu.memory_space<semaphore_mem>>) src(%arg5 : memref<16xi32, #tpu.memory_space<vmem>>) dst(%dma_wait3A_188 : memref<16xi32, #tpu.memory_space<hbm>>)
      tpu.yield
    }) : () -> ()
    return
  }
}

</mosaic_0001>

<sc_bundles>
// kernel: kernel.3.cloned.1.call-start
scs
__scs_entry_jumppad:
0x0: {  	(pc) =	sbr.rel $0x88, $3  }
0x1: {  	(tag) =	ssettag $0x0;
	lr =	simm.s32 $0x1  }
0x2: {  	[smem:$0x3FA0] =	sst lr;
	_ =	strace $0xD0000000  }
0x3: {  	_ = 	snop  }
0x4: {  	_ = 	snop  }
0x5: {  	_ = 	snop  }
0x6: {  	_ = 	snop  }
0x7: {  	_ = 	snop  }
__scs_overlays_trampoline_lowered:
0x8: {  	[smem:$0x3FAF] =	sst s0  }
0x9: {  	[smem:$0x3FB0] =	sst s1  }
0xa: {  	[smem:$0x3FB1] =	sst s2  }
0xb: {  	[smem:$0x3FB2] =	sst s3  }
0xc: {  	[smem:$0x3FB3] =	sst s4  }
0xd: {  	[smem:$0x3FB4] =	sst s5  }
0xe: {  	[smem:$0x3FB5] =	sst s6  }
0xf: {  	[smem:$0x3FB6] =	sst s7  }
0x10: {  	[smem:$0x3FB7] =	sst s8  }
0x11: {  	[smem:$0x3FB8] =	sst s9;
	s0 =	simm.s32 @!p0 $0x0  }
0x12: {  	s1 =	sld [smem:$0x3F9E];
	s0 =	simm.s32 @p0 $0x1  }
0x13: {  	[smem:$0x3FB9] =	sst s0;
	s0 =	simm.s32 @!p1 $0x0  }
0x14: {  	s2 =	sld [smem:$0x3F9D];
	s0 =	simm.s32 @p1 $0x1  }
0x15: {  	[smem:$0x3FBA] =	sst s0;
	s0 =	simm.s32 @!p2 $0x0  }
0x16: {  	s3 =	sld [smem:$0x3FDB];
	s0 =	simm.s32 @p2 $0x1  }
0x17: {  	s4 =	simm.s32 $0x1BF5;
	[smem:$0x3FBC] =	sst s0  }
0x18: {  	s0 =	sld [smem:$0x3F9F];
	_ =	swait.ge [sflag:s4], $0x0  }
0x19: {  	s7 =	sld [smem:$0x3FA0]  }
0x1a: {  	s8 =	sadd.s32 $0xFFFFE003, lr  }
0x1b: {  	s9 =	sadd.s32 $0xFFFFFEF7, lr;
	s5 =	simm.s32 $0xFFFFFFFF;
	p2 =	slt.u32 s8, $0xFFFFF086  }
0x1c: {  	p1 =	slt.u32 s9, $0xF7A;
	s5 =	simm.s32 @!p2 $0x0  }
0x1d: {  	s5 =	simm.s32 @p1 $0x1;
	p0 =	seq.s32 s7, s2  }
0x1e: {  	s7 =	smul.u32 @!p0 $0xF7A, s2;
	p2 =	seq.s32 @!p0 s5, $0x0  }
0x1f: {  	s9 =	smul.u32 $0xF7A, s1;
	s8 =	simm.s32 @!p0 $0x1BF5;
	p2 =	por !p2, p0  }
0x20: {  	[sflag:s8] =	ssyncset.s32 @!p0 $0xFFFFF086;
	s6 =	sadd.s32 @!p0 s3, s7;
	s7 =	simm.s32 @!p0 $0x108  }
0x21: {  	s3 =	sadd.s32 s3, s9;
	s6 =	sadd.s32 @!p0 $0x88, s6;
	s7 =	simm.s32 @p2 $0x1082  }
0x22: {  	[simem:s7], [sflag:s8] =	dma.local @!p0 [hbm:s6], $0xF7A  }
0x23: {  	s9 =	sor.u32 $0xD0000000, s2;
	s6 =	simm.s32 $0x108;
	_ =	swait.ge @!p0 [sflag:s8], $0x0  }
0x24: {  	s3 =	sadd.s32 $0x88, s3;
	s6 =	simm.s32 @!p1 $0x1082;
	[sflag:s4] =	ssyncset.s32 $0xFFFFF086  }
0x25: {  	[simem:s6], [sflag:s4] =	dma.local [hbm:s3], $0xF7A  }
0x26: {  	[smem:$0x3FA0] =	sst s1;
	(tag) =	ssettag s2;
	_ =	strace s9  }
0x27: {  	s1 =	sld [smem:$0x3FB0]  }
0x28: {  	s2 =	sld [smem:$0x3FB1]  }
0x29: {  	s4 =	sld [smem:$0x3FB3]  }
0x2a: {  	p0 =	seq.s32 s5, $0x0;
	s5 =	sld [smem:$0x3FB4]  }
0x2b: {  	s6 =	sld [smem:$0x3FB5]  }
0x2c: {  	s7 =	sld [smem:$0x3FB6]  }
0x2d: {  	s3 =	simm.s32 $0x108;
	s8 =	sld [smem:$0x3FB7]  }
0x2e: {  	s3 =	simm.s32 @!p0 $0x1082;
	s9 =	sld [smem:$0x3FB8]  }
0x2f: {  	lr =	sadd.s32 s0, s3;
	s0 =	sld [smem:$0x3FAF]  }
0x30: {  	s3 =	sld [smem:$0x3FB2]  }
0x31: {  	[smem:$0x3FBB] =	sst s10  }
0x32: {  	s10 =	sld [smem:$0x3FB9];
	_ =	sdelay $0x3  }
0x33: {  	p0 =	seq.s32 s10, $0x1;
	s10 =	sld [smem:$0x3FBB];
	_ =	sdelay $0x3  }
0x34: {  	[smem:$0x3FBB] =	sst s10  }
0x35: {  	s10 =	sld [smem:$0x3FBA];
	_ =	sdelay $0x3  }
0x36: {  	p1 =	seq.s32 s10, $0x1;
	s10 =	sld [smem:$0x3FBB];
	_ =	sdelay $0x3  }
0x37: {  	[smem:$0x3FBB] =	sst s10  }
0x38: {  	s10 =	sld [smem:$0x3FBC]  }
0x39: {  	_ = 	snop;
	(pc) =	sbr.ind lr, $3  }
0x3a: {  	_ = 	snop  }
0x3b: {  	_ = 	snop  }
0x3c: {  	p2 =	seq.s32 s10, $0x1;
	s10 =	sld [smem:$0x3FBB]  }
0x3d: {  	_ =	shalt  }
0x3e: {  	_ =	shalt  }
0x3f: {  	_ =	shalt  }
0x40: {  	_ =	shalt  }
0x41: {  	_ =	shalt  }
0x42: {  	_ =	shalt  }
0x43: {  	_ =	shalt  }
0x44: {  	_ =	shalt  }
0x45: {  	_ =	shalt  }
0x46: {  	_ =	shalt  }
0x47: {  	_ =	shalt  }
0x48: {  	_ =	shalt  }
0x49: {  	_ =	shalt  }
0x4a: {  	_ =	shalt  }
0x4b: {  	_ =	shalt  }
0x4c: {  	_ =	shalt  }
0x4d: {  	_ =	shalt  }
0x4e: {  	_ =	shalt  }
0x4f: {  	_ =	shalt  }
0x50: {  	_ =	shalt  }
0x51: {  	_ =	shalt  }
0x52: {  	_ =	shalt  }
0x53: {  	_ =	shalt  }
0x54: {  	_ =	shalt  }
0x55: {  	_ =	shalt  }
0x56: {  	_ =	shalt  }
0x57: {  	_ =	shalt  }
0x58: {  	_ =	shalt  }
0x59: {  	_ =	shalt  }
0x5a: {  	_ =	shalt  }
0x5b: {  	_ =	shalt  }
0x5c: {  	_ =	shalt  }
0x5d: {  	_ =	shalt  }
0x5e: {  	_ =	shalt  }
0x5f: {  	_ =	shalt  }
0x60: {  	_ =	shalt  }
0x61: {  	_ =	shalt  }
0x62: {  	_ =	shalt  }
0x63: {  	_ =	shalt  }
0x64: {  	_ =	shalt  }
0x65: {  	_ =	shalt  }
0x66: {  	_ =	shalt  }
0x67: {  	_ =	shalt  }
0x68: {  	_ =	shalt  }
0x69: {  	_ =	shalt  }
0x6a: {  	_ =	shalt  }
0x6b: {  	_ =	shalt  }
0x6c: {  	_ =	shalt  }
0x6d: {  	_ =	shalt  }
0x6e: {  	_ =	shalt  }
0x6f: {  	_ =	shalt  }
0x70: {  	_ =	shalt  }
0x71: {  	_ =	shalt  }
0x72: {  	_ =	shalt  }
0x73: {  	_ =	shalt  }
0x74: {  	_ =	shalt  }
0x75: {  	_ =	shalt  }
0x76: {  	_ =	shalt  }
0x77: {  	_ =	shalt  }
0x78: {  	_ =	shalt  }
0x79: {  	_ =	shalt  }
0x7a: {  	_ =	shalt  }
0x7b: {  	_ =	shalt  }
0x7c: {  	_ =	shalt  }
0x7d: {  	_ =	shalt  }
0x7e: {  	_ =	shalt  }
0x7f: {  	_ =	shalt  }
0x80: {  	_ =	shalt  }
0x81: {  	_ =	shalt  }
0x82: {  	_ =	shalt  }
0x83: {  	_ =	shalt  }
0x84: {  	_ =	shalt  }
0x85: {  	_ =	shalt  }
0x86: {  	_ =	shalt  }
0x87: {  	_ =	shalt  }
.Lfunc_end0:
.L_simem_size_0:
called_computation_lowered:
.L_overlay_start_0:
0x88: {  	s2 =	sld [smem:$0x3FD9]  }
0x89: {  	s3 =	sld [smem:$0x3FFE];
	_ =	sdelay $0x1  }
0x8a: {  	s1 =	srdreg.scid  }
0x8b: {  	s0 =	sand.u32 $0x1, s1  }
0x8c: {  	s17 =	sshll.u32 s0, $0xA;
	s2 =	sadd.s32 s3, s2  }
0x8d: {  	s2 =	sadd.s32 s2, s17  }
0x8e: {  	[smem:$0x3FC7] =	sst s2  }
0x8f: {  	_ = 	snop  }
0x90: {  	s2 =	sld [smem:$0x3FC9];
	(tm) =	ssettm $0x1  }
0x91: {  	s18 =	sld [smem:$0x3FFB];
	_ =	sdelay $0x3  }
0x92: {  	_ =	strace s18  }
0x93: {  	s3 =	sld [smem:$0x3FFC];
	_ =	sdelay $0x3  }
0x94: {  	_ =	strace s3  }
0x95: {  	s3 =	sld [smem:$0x3FFD];
	_ =	sdelay $0x3  }
0x96: {  	_ =	strace s3  }
0x97: {  	_ =	strace $0x8FFFFFFF  }
0x98: {  	s19 =	sld [smem:$0x3FDB];
	_ =	sdelay $0x1  }
0x99: {  	s4 =	simm.s32 $_scs_section_size  }
0x9a: {  	s5 =	simm.s32 $_size__tile_overlayer_lowered;
	s6 =	simm.s32 $_tile_overlayer_lowered  }
0x9b: {  	s22 =	simm.s32 $0x1BFF;
	s21 =	sshll.u32 s6, $0x1;
	s3 =	sadd.s32 s4, s19  }
0x9c: {  	s7 =	simm.s32 $0x0;
	s20 =	sshll.u32 s5, $0x1;
	s5 =	sadd.s32 s21, s3  }
0x9d: {  	[timem:s7], [sflag:s22] =	dma.local [hbm:s5], s20  }
0x9e: {  	_ =	swait.ge [sflag:s22], s20  }
0x9f: {  	s4 =	ssub.s32 $0x0, s20;
	[sflag:s22] =	ssyncset.done $0x0  }
0xa0: {  	[sflag:s22] =	ssyncadd.s32 s4;
	_ =	sdelay $0x1  }
0xa1: {  	s23 =	simm.s32 $0x1B8B  }
0xa2: {  	_ =	swait.ge [sflag:s23], $0x1  }
0xa3: {  	[sflag:s23] =	ssyncset.done $0x0  }
0xa4: {  	s25 =	simm.s32 $0x1B8E;
	s24 =	sld [smem:$0x3FFE];
	[sflag:s23] =	ssyncadd.s32 $0xFFFFFFFF  }
0xa5: {  	s26 =	simm.s32 $execute0_lowered;
	[smem:$0x3FD2] =	sst s25  }
0xa6: {  	s5 =	sshll.u32 s26, $0x1;
	_ =	strace $0x80000046;
	[dreg:$0x1] =	wrdreg $0xFFFFFFFF  }
0xa7: {  	s28 =	simm.s32 $_size_execute0_lowered;
	s3 =	sadd.s32 s3, s5;
	[dreg:$0x0] =	wrdreg $0x0  }
0xa8: {  	s5 =	sshll.u32 s28, $0x1;
	[dreg:$0x2] =	wrdreg s3  }
0xa9: {  	[dreg:$0x3] =	wrdreg s5  }
0xaa: {  	[dreg:$0x4] =	wrdreg $0xC0  }
0xab: {  	_ =	task [dreg:s7], $0x5FFFF  }
0xac: {  	[dreg:$0x1] =	wrdreg $0xFFFFFFFF  }
0xad: {  	[dreg:$0x0] =	wrdreg $0x60  }
0xae: {  	[dreg:$0x2] =	wrdreg s2  }
0xaf: {  	[dreg:$0x3] =	wrdreg s24  }
0xb0: {  	[dreg:$0x4] =	wrdreg $0x9  }
0xb1: {  	_ =	task.clear_ibuf [dreg:s7], $0x5FFFF;
	_ =	strace $0x90000046  }
0xb2: {  	s29 =	simm.s32 $0x9;
	_ =	strace $0x80000048  }
0xb3: {  	_ =	swait.ge [sflag:s29], $0x1  }
0xb4: {  	[sflag:s29] =	ssyncadd.s32 $0xFFFFFFFF  }
0xb5: {  	_ =	strace $0x90000048  }
0xb6: {  	_ =	sfence  }
0xb7: {  	s30 =	sld [smem:$0x0];
	_ =	sdelay $0x2  }
0xb8: {  	s31 =	sshll.u32 s1, $0xD;
	s1 =	sshrl.u32 s1, $0x2  }
0xb9: {  	s3 =	sand.u32 $0x4000, s31;
	s1 =	sadd.s32 s1, s30  }
0xba: {  	s0 =	sor.u32 s3, s0;
	s1 =	sshll.u32 s1, $0x11  }
0xbb: {  	s0 =	sor.u32 s1, s0  }
0xbc: {  	s0 =	sadd.s32 $0x8F2B, s0  }
0xbd: {  	[sflag:s0] =	ssyncadd.remote.s32 $0x1  }
0xbe: {  	_ =	sfence.sel $0xFFFF  }
0xbf: {  	[dreg:$0x0] =	wrdreg $0xFFFFFFFF;
	(pc) =	sbr.abs _section_cstart, $3  }
0xc0: {  	[dreg:$0x1] =	wrdreg $0xFFFFFFFF  }
0xc1: {  	_ =	task.clear_ibuf [dreg:s7], $0x2FFFF;
	_ =	strace $0x9FFFFFFF  }
0xc2: {  	(tm) =	ssettm $0x7FFFFFFF  }
0xc3: {  	_ =	shalt  }
tec
execute0_lowered:
.L_overlay_start_1:
0x0: {  	(tag) =	ssettag $0x1  }
0x1: {  	v0 =	vimm.s32 $0xFEDCBA98;
	v1 =	vimm.s32 $0x76543210  }
0x2: {  	s3 =	rddreg [dreg:$0x0];
	v2 =	vimm.s32 $0xBA98FEDC;
	v3 =	vimm.s32 $0x32107654;
	v4 =	vimm.s32 $0xDCFE98BA  }
0x3: {  	s4 =	rddreg [dreg:$0x1];
	s0 =	simm.s32 $0x0;
	v5 =	vimm.s32 $0x54761032;
	v6 =	vimm.s32 $0xEFCDAB89;
	v7 =	vimm.s32 $0x67452301  }
0x4: {  	s1 =	srdreg.scid;
	s2 =	stileid.u32;
	s10 =	simm.s32 $0x2;
	v0 =	vunpack.c.l.s4.s8 v0;
	v1 =	vunpack.c.l.s4.s8 v1;
	v2 =	vunpack.c.l.s4.s8 v2  }
0x5: {  	s11 =	simm.s32 $0x0;
	[smem:$0x7FF] =	sst s0;
	s5 =	sand.u32 $0x1, s1;
	v3 =	vunpack.c.l.s4.s8 v3;
	v4 =	vunpack.c.l.s4.s8 v4;
	v5 =	vunpack.c.l.s4.s8 v5  }
0x6: {  	s1 =	rddreg [dreg:$0x2];
	v6 =	vunpack.c.l.s4.s8 v6;
	v7 =	vunpack.c.l.s4.s8 v7;
	s9 =	sshll.u32 s2, $0x4;
	s6 =	sshll.u32 s5, $0x4;
	v0 =	vunpack.c.0.s8.s32 v0  }
0x7: {  	_ =	strace $0x80000047;
	s5 =	ssub.s32 $0x2, s5;
	s31 =	sand.u32 $0x70, s9;
	v2 =	vunpack.c.0.s8.s32 v2;
	v3 =	vunpack.c.0.s8.s32 v3;
	v4 =	vunpack.c.0.s8.s32 v4  }
0x8: {  	s9 =	simm.s32 $0x18700;
	s6 =	sor.u32 s2, s6;
	s7 =	sshrl.u32 s5, $0x1;
	v5 =	vunpack.c.0.s8.s32 v5;
	v6 =	vunpack.c.0.s8.s32 v6;
	v7 =	vunpack.c.0.s8.s32 v7  }
0x9: {  	s4 =	sadd.s32 s4, s31;
	v1 =	vunpack.c.0.s8.s32 v1;
	s8 =	smul.u32 $0x18700, s6;
	s6 =	sshll.u32 s6, $0x4;
	v2 =	vcombine.low v3, v2  }
0xa: {  	s5 =	ssub.s32 s5, s7;
	s7 =	simm.s32 $0x400;
	s6 =	sand.u32 $0x180, s6;
	v3 =	vcombine.low v5, v4;
	v4 =	vand.u32 $0xF, v0;
	v5 =	vcombine.low v7, v6  }
0xb: {  	s5 =	smax.u32 s5, $0x1;
	v0 =	vlaneseq.u32;
	s3 =	sadd.s32 s8, s3;
	s4 =	sadd.s32 s6, s4;
	v1 =	vcombine.low v4, v1  }
0xc: {  	s6 =	simm.s32 $0x80;
	s8 =	simm.s32 $0x1;
	s3 =	sadd.s32 $0x70, s3;
	v2 =	vand.u32 $0xF, v2;
	v3 =	vand.u32 $0xF, v3;
	v4 =	vand.u32 $0xF, v5  }
.LBB2_1:
0xd: {  	[tilespmem:s0], [sflag:$0x1] =	stream.strided.gather [hbm4b:s3+s6], $0x18700, s7, s6, $0x38;
	[tilespmem:$0x18780] =	vst v63  }
0xe: {  	_ =	swait.ge [sflag:s8], $0x18700  }
0xf: {  	[sflag:s8] =	ssyncset.done $0x0  }
0x10: {  	s12 =	simm.s32 $0x50;
	[sflag:s8] =	ssyncadd.s32 $0xFFFE7900  }
0x11: {  	v5 =	vld [tilespmem:s12+$0xFFFFFFE0]  }
0x12: {  	v8 =	vld [tilespmem:s12+$0x10]  }
0x13: {  	v7 =	vld [tilespmem:s12+$0xFFFFFFF0]  }
0x14: {  	v9 =	vld [tilespmem:s12+$0xFFFFFFB0]  }
0x15: {  	v11 =	vld [tilespmem:s12+$0xFFFFFFC0]  }
0x16: {  	v14 =	vld [tilespmem:s12+$0xFFFFFFD0]  }
0x17: {  	v6 =	vld [tilespmem:s12+$0x0]  }
0x18: {  	v12 =	vimm.f32 $-Inf;
	v10 =	vld [tilespmem:s12+$0x30]  }
0x19: {  	v19 =	vimm.s32 $0x0;
	v15 =	vld [tilespmem:s12+$0x20];
	vm0 =	vgt.f32 v5, v12  }
0x1a: {  	s14 =	simm.s32 $0xF0;
	v21 =	vld [tilespmem:s12+$0x40];
	v5 =	vmax.f32 v12, v5;
	v13 =	vmax.f32 v12, v9;
	vm1 =	vgt.f32 v9, v12  }
0x1b: {  	s13 =	simm.s32 $0x3;
	v25 =	vld [tilespmem:s14+$0xFFFFFFB0];
	v23 =	vmax.f32 v12, v7;
	v24 =	vmax.f32 v12, v11;
	vm3 =	vgt.f32 v14, v12  }
0x1c: {  	v17 =	vld [tilespmem:s14+$0xFFFFFFC0];
	vm5 =	vgt.f32 v7, v12;
	v16 =	vsel vm0, s13, v19;
	vm2 =	vgt.f32 v6, v13  }
0x1d: {  	s26 =	simm.s32 $0x2;
	v9 =	vld [tilespmem:s14+$0xFFFFFFE0];
	v22 =	vmax.f32 v13, v6;
	vm0 =	vgt.f32 v11, v12;
	v18 =	vmax.f32 v5, v10  }
0x1e: {  	s24 =	simm.s32 $0x8;
	v7 =	vld [tilespmem:s14+$0x30];
	vm4 =	vgt.f32 v10, v5;
	v10 =	vmax.f32 v12, v14;
	v20 =	vsel vm3, s26, v19  }
0x1f: {  	s25 =	simm.s32 $0x1;
	v6 =	vld [tilespmem:s14+$0x10];
	vm3 =	vgt.f32 v8, v24;
	vm15 =	vgt.f32 v21, v23;
	v14 =	vsel vm4, s24, v16  }
0x20: {  	s29 =	simm.s32 $0x4;
	s16 =	simm.s32 $0x0;
	v13 =	vld [tilespmem:s14+$0x0];
	v26 =	vsel vm0, s25, v19;
	vm0 =	vgt.f32 v15, v10;
	v12 =	vmax.f32 v10, v15  }
0x21: {  	s31 =	simm.s32 $0x5;
	v5 =	vld [tilespmem:s14+$0xFFFFFFF0];
	v10 =	vsel vm5, s29, v19;
	v19 =	vsel vm1, s16, v19;
	vm1 =	vgt.f32 v25, v22  }
0x22: {  	s28 =	simm.s32 $0xD;
	s30 =	simm.s32 $0x6;
	v16 =	vld [tilespmem:s14+$0xFFFFFFD0];
	v22 =	vmax.f32 v22, v25;
	v19 =	vsel vm2, s31, v19;
	vm14 =	vgt.f32 v9, v18  }
0x23: {  	s15 =	simm.s32 $0x9;
	s12 =	simm.s32 $0x13;
	v15 =	vld [tilespmem:s14+$0x20];
	v11 =	vmax.f32 v18, v9;
	v18 =	vsel vm3, s30, v26;
	v9 =	vsel vm14, s28, v14  }
0x24: {  	s13 =	simm.s32 $0x1D;
	v14 =	vmax.f32 v23, v21;
	v21 =	vmax.f32 v24, v8;
	v8 =	vsel vm15, s15, v10;
	s15 =	simm.s32 $0x7;
	v10 =	vld [tilespmem:s14+$0x40];
	s14 =	simm.s32 $0x190  }
.LBB2_2:
0x25: {  	v23 =	vld [tilespmem:s14+$0xFFFFFFE0];
	p0 =	sne.s32 s13, $0x1869;
	vm2 =	vgt.f32 v13, v22;
	v22 =	vmax.f32 v22, v13;
	v20 =	vsel vm0, s15, v20;
	s16 =	smov.u32 s13;
	s13 =	sadd.s32 $0xA, s13  }
0x26: {  	v25 =	vmax.f32 v14, v5;
	v26 =	vmax.f32 v11, v7;
	v24 =	vld [tilespmem:s14+$0x10];
	vm0 =	vgt.f32 v17, v21  }
0x27: {  	s15 =	sadd.s32 $0xFFFFFFFF, s12;
	vm4 =	vgt.f32 v7, v11;
	v21 =	vmax.f32 v21, v17;
	v13 =	vld [tilespmem:s14+$0x0];
	vm3 =	vgt.f32 v16, v12  }
0x28: {  	s17 =	sadd.s32 $0xFFFFFFF8, s12;
	vm5 =	vgt.f32 v5, v14;
	v9 =	vsel vm4, s15, v9;
	v7 =	vmax.f32 v12, v16;
	v5 =	vld [tilespmem:s14+$0xFFFFFFF0]  }
0x29: {  	s15 =	sadd.s32 $0xFFFFFFF9, s12;
	v14 =	vsel vm0, s17, v18;
	vm0 =	vgt.f32 v15, v7;
	v12 =	vmax.f32 v7, v15;
	v27 =	vld [tilespmem:s14+$0xFFFFFFB0]  }
.Ltmp0:
0x2a: {  	s17 =	sadd.s32 $0xFFFFFFFA, s16;
	v20 =	vsel vm3, s15, v20;
	s15 =	sadd.s32 $0xFFFFFFFB, s12;
	vm3 =	vgt.f32 v6, v21;
	vm4 =	vgt.f32 v23, v26;
	v7 =	vld [tilespmem:s14+$0x30];
	(pc) =	sbr.rel @p0 .LBB2_2-.Ltmp0, $4  }
0x2b: {  	v11 =	vmax.f32 v26, v23;
	v17 =	vld [tilespmem:s14+$0xFFFFFFC0];
	v9 =	vsel vm4, s17, v9;
	s17 =	sadd.s32 $0xFFFFFFFD, s12;
	vm4 =	vgt.f32 v10, v25  }
0x2c: {  	s18 =	sadd.s32 $0xFFFFFFF7, s12;
	v8 =	vsel vm5, s15, v8;
	v16 =	vld [tilespmem:s14+$0xFFFFFFD0];
	v18 =	vsel vm3, s17, v14;
	v14 =	vmax.f32 v25, v10  }
0x2d: {  	v19 =	vsel vm1, s18, v19;
	v21 =	vmax.f32 v21, v6;
	s15 =	sadd.s32 $0xFFFFFFFE, s12;
	v6 =	vmovc v24;
	s17 =	sadd.s32 $0xFFFFFFFC, s12;
	v8 =	vsel vm4, s12, v8;
	s12 =	smov.u32 s16;
	v15 =	vld [tilespmem:s14+$0x20]  }
0x2e: {  	v19 =	vsel vm2, s17, v19;
	vm1 =	vgt.f32 v27, v22;
	v22 =	vmax.f32 v22, v27;
	v10 =	vld [tilespmem:s14+$0x40];
	s14 =	sadd.s32 $0xA0, s14  }
0x2f: {  	vm2 =	vgt.f32 v13, v22;
	v53 =	vmax.f32 v22, v13;
	v20 =	vsel vm0, s15, v20;
	s14 =	sadd.s32 $0xFFFFFFF7, s12  }
0x30: {  	s13 =	sadd.s32 $0xFFFFFFF8, s12;
	vm13 =	vgt.f32 v17, v21;
	v54 =	vmax.f32 v21, v17;
	v19 =	vsel vm1, s14, v19  }
0x31: {  	s25 =	sadd.s32 $0xFFFFFFFD, s12;
	s26 =	sadd.s32 $0xFFFFFFFC, s12;
	vm3 =	vgt.f32 v16, v12;
	v18 =	vsel vm13, s13, v18;
	vm14 =	vgt.f32 v6, v54  }
0x32: {  	v6 =	vmax.f32 v54, v6;
	v55 =	vsel vm2, s26, v19;
	v18 =	vsel vm14, s25, v18  }
0x33: {  	v56 =	vmax.f32 v12, v16;
	vm15 =	veq.f32 v6, v53;
	vm8 =	vlt.s32 v18, v55  }
0x34: {  	s28 =	sadd.s32 $0xFFFFFFF9, s12;
	vm9 =	vgt.f32 v15, v56;
	vm4 =	vgt.f32 v6, v53;
	vm0 =	vmand vm15, vm8  }
0x35: {  	s29 =	sadd.s32 $0xFFFFFFFE, s12;
	v12 =	vmax.f32 v56, v15;
	v57 =	vsel vm3, s28, v20;
	vm0 =	vmor vm4, vm0  }
0x36: {  	v15 =	vsel vm9, s29, v57;
	v6 =	vsel vm0, v6, v53;
	v58 =	vsel vm0, v18, v55  }
0x37: {  	vm10 =	veq.f32 v12, v6;
	vm11 =	vlt.s32 v15, v58  }
0x38: {  	v59 =	vmax.f32 v14, v5;
	vm12 =	vgt.f32 v12, v6;
	vm0 =	vmand vm10, vm11  }
0x39: {  	v60 =	vmax.f32 v11, v7;
	s30 =	sadd.s32 $0xFFFFFFFF, s12;
	vm13 =	vgt.f32 v7, v11;
	vm0 =	vmor vm12, vm0  }
0x3a: {  	v7 =	vsel vm13, s30, v9;
	v6 =	vsel vm0, v12, v6;
	v61 =	vsel vm0, v15, v58  }
0x3b: {  	vm14 =	vgt.f32 v5, v14;
	vm15 =	veq.f32 v60, v6;
	vm8 =	vlt.s32 v7, v61  }
0x3c: {  	s31 =	sadd.s32 $0xFFFFFFFB, s12;
	vm9 =	vgt.f32 v10, v59;
	vm10 =	vgt.f32 v60, v6;
	vm1 =	vmand vm15, vm8  }
0x3d: {  	v5 =	vsel vm14, s31, v8;
	v62 =	vmax.f32 v59, v10;
	vm11 =	vmor vm10, vm1  }
0x3e: {  	v5 =	vsel vm9, s12, v5;
	v6 =	vsel vm11, v60, v6;
	v7 =	vsel vm11, v7, v61  }
0x3f: {  	vm12 =	veq.f32 v62, v6;
	vm13 =	vlt.s32 v5, v7  }
0x40: {  	vm14 =	vgt.f32 v62, v6;
	vm0 =	vmand vm12, vm13  }
0x41: {  	vm0 =	vmor vm14, vm0  }
0x42: {  	v6 =	vsel vm0, v62, v6  }
0x43: {  	v8 =	vperm.xlane v6, v1;
	_ =	sdelay $0x1  }
0x44: {  	v8 =	vmax.f32 v6, v8  }
0x45: {  	v63 =	vperm.xlane v8, v2;
	_ =	sdelay $0x1  }
0x46: {  	v8 =	vmax.f32 v8, v63  }
0x47: {  	v9 =	vperm.xlane v8, v3;
	_ =	sdelay $0x1  }
0x48: {  	v8 =	vmax.f32 v8, v9  }
0x49: {  	v9 =	vperm.xlane v8, v4  }
0x4a: {  	v5 =	vsel vm0, v5, v7  }
0x4b: {  	v5 =	vshll.u32 v5, $0x4;
	v7 =	vmax.f32 v8, v9  }
0x4c: {  	v5 =	vor.u32 v0, v5;
	vm15 =	veq.f32 v6, v7  }
0x4d: {  	v5 =	vnsel vm15, $0x7FFFFFFF, v5  }
0x4e: {  	v6 =	vperm.xlane v5, v1;
	_ =	sdelay $0x1  }
0x4f: {  	vm0 =	vlt.s32 v5, v6  }
0x50: {  	v5 =	vsel vm0, v5, v6  }
0x51: {  	v6 =	vperm.xlane v5, v2;
	_ =	sdelay $0x1  }
0x52: {  	vm0 =	vlt.s32 v5, v6  }
0x53: {  	v5 =	vsel vm0, v5, v6  }
0x54: {  	v6 =	vperm.xlane v5, v3;
	_ =	sdelay $0x1  }
0x55: {  	vm0 =	vlt.s32 v5, v6  }
0x56: {  	v5 =	vsel vm0, v5, v6  }
0x57: {  	v6 =	vperm.xlane v5, v4;
	_ =	sdelay $0x1  }
0x58: {  	s11 =	sadd.s32 $0x1, s11;
	vm0 =	vlt.s32 v5, v6  }
0x59: {  	p0 =	sne.s32 s11, s5;
	v5 =	vsel vm0, v5, v6  }
.Ltmp1:
0x5a: {  	[tilespmem:$0x18700] =	vst v5;
	(pc) =	sbr.rel @p0 .LBB2_1-.Ltmp1, $4  }
0x5b: {  	[hbm4b:s4+s0] =	stream.linear.scatter [tilespmem:s9], [sflag:$0x2], $0x80, $0x38;
	[tilespmem:$0x18780] =	vst v63  }
0x5c: {  	_ =	swait.ge [sflag:s10], $0x80  }
0x5d: {  	[sflag:s10] =	ssyncset.done $0x0  }
0x5e: {  	[sflag:s10] =	ssyncadd.s32 $0xFFFFFF80  }
0x5f: {  	_ =	sfence.sel $0x180000  }
0x60: {  	[bflag:$0x0] =	sbarrier.arrive $0xFFFF  }
0x61: {  	p0 =	sne.s32 s2, $0x0;
	_ =	strace $0x90000047  }
0x62: {  	s0 =	sadd.s32 @!p0 $0x100000, s1;
	[bflag:$0x2] =	sbarrier.arrive $0xFFFF  }
0x63: {  	[sflag:s0] =	ssyncadd.tile.s32 @!p0 $0x1;
	_ =	shalt  }
.Lfunc_end2:
_tile_overlayer_lowered:
.L_overlay_start_2:
0x64: {  	(tag) =	ssettag $0x2  }
0x65: {  	s0 =	rddreg [dreg:$0x0];
	s2 =	stileid.u32  }
0x66: {  	s1 =	rddreg [dreg:$0x1];
	p0 =	sne.s32 s2, $0x0  }
0x67: {  	s3 =	rddreg [dreg:$0x2];
	[bflag:$0x3] =	sbarrier.arrive $0xFFFF;
	s2 =	simm.s32 @!p0 $0x1C02  }
0x68: {  	[timem:s3], [sflag:s2] =	dma.local @!p0 [hbm:s0], s1  }
0x69: {  	s0 =	simm.s32 @!p0 $0x2  }
0x6a: {  	_ =	swait.ge @!p0 [sflag:s0], s1  }
0x6b: {  	s1 =	ssub.s32 @!p0 $0x0, s1;
	[sflag:s0] =	ssyncset.done @!p0 $0x0  }
0x6c: {  	[sflag:s0] =	ssyncadd.s32 @!p0 s1  }
0x6d: {  	[bflag:$0x3] =	sbarrier.arrive $0xFFFF  }
0x6e: {  	_ =	shalt  }

</sc_bundles>
